<compile_context>
chip_gen: v7x
topology: tpu7x:2x2x1
jax: 0.10.2.dev20260603
libtpu: 0.0.44.dev20260713+nightly
codegen_flags: <defaults>
</compile_context>

<pallas_src>
import functools

import jax
import jax.numpy as jnp
from jax import lax
from jax.experimental import pallas as pl
from jax.experimental.pallas import tpu as pltpu
from jax.experimental.pallas import tpu_sc as plsc

_PAD_IDX = 1


def _sc_gather(emb_weight, idx_flat, n_rows, d):
    info = plsc.get_sparse_core_info()
    nw = 1 * info.num_subcores
    rows_per_w = n_rows // nw

    mesh = plsc.VectorSubcoreMesh(core_axis_name="c", subcore_axis_name="s", num_cores=1)

    @functools.partial(
        pl.kernel,
        mesh=mesh,
        out_type=jax.ShapeDtypeStruct((n_rows, d), jnp.float32),
        scratch_types=[
            pltpu.VMEM((rows_per_w,), jnp.int32),
            pltpu.VMEM((rows_per_w, d), jnp.float32),
            pltpu.SemaphoreType.DMA,
        ],
    )
    def gather_kernel(emb_hbm, idx_hbm, out_hbm, idx_v, rows_v, sem):
        wid = lax.axis_index("s")
        base = wid * rows_per_w
        pltpu.sync_copy(idx_hbm.at[pl.ds(base, rows_per_w)], idx_v)
        pltpu.async_copy(emb_hbm.at[idx_v], rows_v, sem).wait()
        pltpu.sync_copy(rows_v, out_hbm.at[pl.ds(base, rows_per_w)])

    return gather_kernel(emb_weight, idx_flat)


_ND = 2


def _merge_body(p_ref, x_ref, o_ref):
    p = p_ref.shape[1]
    t = x_ref.shape[1]
    o_ref[0, 0:p] = p_ref[0]
    o_ref[0, p : p + t] = x_ref[0]


def kernel(x, encoder_padding_mask, src_prompt, source_prompt_length_padding_mask, emb_weight):
    b, t, d = x.shape
    p = src_prompt.shape[1]

    idx = jnp.where(source_prompt_length_padding_mask, _PAD_IDX, src_prompt)
    idx_flat = idx.astype(jnp.int32).reshape(b * p)

    prompt_rows = _sc_gather(emb_weight, idx_flat, b * p, d)
    prompt_emb = prompt_rows.reshape(b, p, d)

    dsub = d // _ND
    out = pl.pallas_call(
        _merge_body,
        grid=(b, _ND),
        in_specs=[
            pl.BlockSpec((1, p, dsub), lambda bi, jd: (bi, 0, jd)),
            pl.BlockSpec((1, t, dsub), lambda bi, jd: (bi, 0, jd)),
        ],
        out_specs=pl.BlockSpec((1, p + t, dsub), lambda bi, jd: (bi, 0, jd)),
        out_shape=jax.ShapeDtypeStruct((b, p + t, d), x.dtype),
        compiler_params=pltpu.CompilerParams(
            dimension_semantics=("arbitrary", "arbitrary"),
        ),
    )(prompt_emb, x)

    out_padding_mask = jnp.concatenate(
        [source_prompt_length_padding_mask, encoder_padding_mask], axis=1
    )
    return out, out_padding_mask

# --- scband reference (transcript-rebuilt; emitter-appended) ---
"""Pipeline reference for scband-special-tokens-embeddings-64759516889363 (READ-ONLY COPY).

The authoritative reference and input builder live on the scoring server;
editing this copy changes nothing except your own understanding.
"""

import jax, jax.numpy as jnp
import numpy as np

OLD_VOCAB = 100000
NEW_VOCAB = 256
EMBED_DIM = 1024
PAD_IDX = 1
EOS_IDX = 2
B, T, P = 4, 2048, 64
TOTAL_VOCAB = OLD_VOCAB + NEW_VOCAB


def setup_inputs(seed: int = 0) -> dict:
    key = jax.random.key(seed)
    k1, k2, k3 = jax.random.split(key, 3)
    x = jax.random.normal(k1, (B, T, EMBED_DIM), dtype=jnp.float32)
    encoder_padding_mask = jnp.zeros((B, T), dtype=bool)
    src_prompt = jax.random.randint(k2, (B, P), 0, TOTAL_VOCAB)
    source_prompt_length_padding_mask = jnp.zeros((B, P), dtype=bool)
    # Learned parameter: CustomEmbedding table = old vocab rows + new-token rows,
    # materialized as a single [old+new, embed_dim] matrix.
    emb_weight = jax.random.normal(k3, (TOTAL_VOCAB, EMBED_DIM), dtype=jnp.float32) * 0.02
    return {
        "x": x,
        "encoder_padding_mask": encoder_padding_mask,
        "src_prompt": src_prompt,
        "source_prompt_length_padding_mask": source_prompt_length_padding_mask,
        "emb_weight": emb_weight,
    }


def reference(x, encoder_padding_mask, src_prompt, source_prompt_length_padding_mask, emb_weight):
    # merge_modalities: embed the text prompt tokens with the (extended) embedding
    # table, replace padded prompt positions with the pad embedding, then prepend
    # the prompt embeddings to the (speech) encoder output x and merge the masks.
    prompt_emb = jnp.take(emb_weight, src_prompt, axis=0)  # [B, P, D] gather
    pad_emb = emb_weight[PAD_IDX]  # [D]
    prompt_emb = jnp.where(source_prompt_length_padding_mask[..., None], pad_emb, prompt_emb)
    out = jnp.concatenate([prompt_emb, x], axis=1)  # [B, P+T, D]
    out_padding_mask = jnp.concatenate([source_prompt_length_padding_mask, encoder_padding_mask], axis=1)  # [B, P+T]
    return out, out_padding_mask

if __name__ == "__main__":
    import jax
    _d = setup_inputs()
    print(jax.jit(kernel)(*tuple(_d.values())))

</pallas_src>

<mosaic_0001>
#map = affine_map<(d0, d1) -> (0, 0)>
#map1 = affine_map<(d0, d1) -> (0)>
module attributes {stable_mosaic.version = 14 : i64} {
  func.func @gather_kernel(%arg0: i32, %arg1: i32, %arg2: memref<100256x1024xf32, #tpu.memory_space<hbm>>, %arg3: memref<256xi32, #tpu.memory_space<hbm>>, %arg4: memref<256x1024xf32, #tpu.memory_space<hbm>>, %arg5: memref<16xi32, #tpu.memory_space<vmem>>, %arg6: memref<16x1024xf32, #tpu.memory_space<vmem>>, %arg7: memref<!tpu.dma_semaphore, #tpu.memory_space<semaphore_mem>>) attributes {dimension_semantics = [#tpu.dimension_semantics<core_parallel>, #tpu.dimension_semantics<subcore_parallel>], iteration_bounds = array<i64: 1, 16>, scalar_prefetch = 0 : i64, scratch_operands = 3 : i64, tpu.core_type = #tpu.core_type<sc_vector_subcore>, window_params = [{transform_indices = #map}, {transform_indices = #map1}, {transform_indices = #map}]} {
    %mul3A = arith.constant 16 : i32
    %mul3A_0 = arith.muli %arg1, %mul3A : i32
    "tpu.region"() ({
      %run_scoped3A = tpu.sem_alloc : memref<!tpu.dma_semaphore, #tpu.memory_space<semaphore_mem>>
      %dma_start3A_5 = tpu.memref_slice %arg3[%mul3A_0] : memref<256xi32, #tpu.memory_space<hbm>> -> memref<16xi32, #tpu.memory_space<hbm>>
      %dma_start3A_6 = tpu.memref_slice %arg3[%mul3A_0] : memref<256xi32, #tpu.memory_space<hbm>> -> memref<16xi32, #tpu.memory_space<hbm>>
      tpu.enqueue_dma source(%dma_start3A_6 : memref<16xi32, #tpu.memory_space<hbm>>) target(%arg5 : memref<16xi32, #tpu.memory_space<vmem>>) target_semaphore(%run_scoped3A : memref<!tpu.dma_semaphore, #tpu.memory_space<semaphore_mem>>)
      %dma_wait3A_7 = tpu.memref_slice %arg3[%mul3A_0] : memref<256xi32, #tpu.memory_space<hbm>> -> memref<16xi32, #tpu.memory_space<hbm>>
      %dma_wait3A_8 = tpu.memref_slice %arg3[%mul3A_0] : memref<256xi32, #tpu.memory_space<hbm>> -> memref<16xi32, #tpu.memory_space<hbm>>
      tpu.wait_dma2 semaphore(%run_scoped3A : memref<!tpu.dma_semaphore, #tpu.memory_space<semaphore_mem>>) src(%dma_wait3A_8 : memref<16xi32, #tpu.memory_space<hbm>>) dst(%arg5 : memref<16xi32, #tpu.memory_space<vmem>>)
      tpu.yield
    }) : () -> ()
    %dma_start3A = arith.constant 0 : i32
    %dma_start3A_1 = arith.constant 0 : i32
    %dma_start3A_2 = tpu.memref_slice %arg2[%dma_start3A, %dma_start3A_1] : memref<100256x1024xf32, #tpu.memory_space<hbm>> -> memref<100256x1024xf32, #tpu.memory_space<hbm>>
    tpu.enqueue_indirect_dma source(%dma_start3A_2 : memref<100256x1024xf32, #tpu.memory_space<hbm>>) target(%arg6 : memref<16x1024xf32, #tpu.memory_space<vmem>>) offsets(%arg5 : memref<16xi32, #tpu.memory_space<vmem>>) semaphore(%arg7 : memref<!tpu.dma_semaphore, #tpu.memory_space<semaphore_mem>>)
    %dma_wait3A = arith.constant 0 : i32
    %dma_wait3A_3 = arith.constant 0 : i32
    %dma_wait3A_4 = tpu.memref_slice %arg2[%dma_wait3A, %dma_wait3A_3] : memref<100256x1024xf32, #tpu.memory_space<hbm>> -> memref<100256x1024xf32, #tpu.memory_space<hbm>>
    tpu.wait_indirect_dma semaphore(%arg7 : memref<!tpu.dma_semaphore, #tpu.memory_space<semaphore_mem>>) src(%dma_wait3A_4 : memref<100256x1024xf32, #tpu.memory_space<hbm>>) dst(%arg6 : memref<16x1024xf32, #tpu.memory_space<vmem>>)
    "tpu.region"() ({
      %run_scoped3A = tpu.sem_alloc : memref<!tpu.dma_semaphore, #tpu.memory_space<semaphore_mem>>
      %dma_start3A_5 = arith.constant 0 : i32
      %dma_start3A_6 = tpu.memref_slice %arg4[%mul3A_0, %dma_start3A_5] : memref<256x1024xf32, #tpu.memory_space<hbm>> -> memref<16x1024xf32, #tpu.memory_space<hbm>>
      %dma_start3A_7 = arith.constant 0 : i32
      %dma_start3A_8 = tpu.memref_slice %arg4[%mul3A_0, %dma_start3A_7] : memref<256x1024xf32, #tpu.memory_space<hbm>> -> memref<16x1024xf32, #tpu.memory_space<hbm>>
      tpu.enqueue_dma source(%arg6 : memref<16x1024xf32, #tpu.memory_space<vmem>>) target(%dma_start3A_8 : memref<16x1024xf32, #tpu.memory_space<hbm>>) target_semaphore(%run_scoped3A : memref<!tpu.dma_semaphore, #tpu.memory_space<semaphore_mem>>)
      %dma_wait3A_9 = arith.constant 0 : i32
      %dma_wait3A_10 = tpu.memref_slice %arg4[%mul3A_0, %dma_wait3A_9] : memref<256x1024xf32, #tpu.memory_space<hbm>> -> memref<16x1024xf32, #tpu.memory_space<hbm>>
      %dma_wait3A_11 = arith.constant 0 : i32
      %dma_wait3A_12 = tpu.memref_slice %arg4[%mul3A_0, %dma_wait3A_11] : memref<256x1024xf32, #tpu.memory_space<hbm>> -> memref<16x1024xf32, #tpu.memory_space<hbm>>
      tpu.wait_dma2 semaphore(%run_scoped3A : memref<!tpu.dma_semaphore, #tpu.memory_space<semaphore_mem>>) src(%arg6 : memref<16x1024xf32, #tpu.memory_space<vmem>>) dst(%dma_wait3A_12 : memref<16x1024xf32, #tpu.memory_space<hbm>>)
      tpu.yield
    }) : () -> ()
    return
  }
}

module attributes {stable_mosaic.version = 14 : i64} {
  func.func @_merge_body(%arg0: i32, %arg1: i32, %arg2: memref<1x64x512xf32, #tpu.memory_space<vmem>>, %arg3: memref<1x2048x512xf32, #tpu.memory_space<vmem>>, %arg4: memref<1x2112x512xf32, #tpu.memory_space<vmem>>) attributes {dimension_semantics = [#tpu.dimension_semantics<arbitrary>, #tpu.dimension_semantics<arbitrary>], iteration_bounds = array<i64: 4, 2>, scalar_prefetch = 0 : i64, scratch_operands = 0 : i64, tpu.core_type = #tpu.core_type<tc>, window_params = [{transform_indices = @transform_0, window_bounds = array<i64: 1, 64, 512>}, {transform_indices = @transform_1, window_bounds = array<i64: 1, 2048, 512>}, {transform_indices = @transform_2, window_bounds = array<i64: 1, 2112, 512>}]} {
    %get3A = arith.constant 0 : index
    %get3A_0 = arith.constant 0 : index
    %get3A_1 = arith.constant 0 : index
    %get3A_2 = vector.load %arg2[%get3A, %get3A_0, %get3A_1] : memref<1x64x512xf32, #tpu.memory_space<vmem>>, vector<1x64x512xf32>
    %get3A_3 = vector.shape_cast %get3A_2 : vector<1x64x512xf32> to vector<64x512xf32>
    %swap3A = arith.constant 0 : index
    %swap3A_4 = arith.constant 0 : index
    %swap3A_5 = arith.constant 0 : index
    %swap3A_6 = vector.load %arg4[%swap3A, %swap3A_4, %swap3A_5] : memref<1x2112x512xf32, #tpu.memory_space<vmem>>, vector<1x64x512xf32>
    %swap3A_7 = vector.shape_cast %swap3A_6 : vector<1x64x512xf32> to vector<64x512xf32>
    %swap3A_8 = vector.shape_cast %get3A_3 : vector<64x512xf32> to vector<1x64x512xf32>
    tpu.vector_store %arg4[%swap3A, %swap3A_4, %swap3A_5], %swap3A_8 {strides = array<i32>} : memref<1x2112x512xf32, #tpu.memory_space<vmem>>, vector<1x64x512xf32>,
    %get3A_9 = arith.constant 0 : index
    %get3A_10 = arith.constant 0 : index
    %get3A_11 = arith.constant 0 : index
    %get3A_12 = vector.load %arg3[%get3A_9, %get3A_10, %get3A_11] : memref<1x2048x512xf32, #tpu.memory_space<vmem>>, vector<1x2048x512xf32>
    %get3A_13 = vector.shape_cast %get3A_12 : vector<1x2048x512xf32> to vector<2048x512xf32>
    %swap3A_14 = arith.constant 0 : index
    %swap3A_15 = arith.constant 64 : index
    %swap3A_16 = arith.constant 0 : index
    %swap3A_17 = vector.load %arg4[%swap3A_14, %swap3A_15, %swap3A_16] : memref<1x2112x512xf32, #tpu.memory_space<vmem>>, vector<1x2048x512xf32>
    %swap3A_18 = vector.shape_cast %swap3A_17 : vector<1x2048x512xf32> to vector<2048x512xf32>
    %swap3A_19 = vector.shape_cast %get3A_13 : vector<2048x512xf32> to vector<1x2048x512xf32>
    tpu.vector_store %arg4[%swap3A_14, %swap3A_15, %swap3A_16], %swap3A_19 {strides = array<i32>} : memref<1x2112x512xf32, #tpu.memory_space<vmem>>, vector<1x2048x512xf32>,
    return
  }
  func.func @transform_0(%arg0: i32, %arg1: i32) -> (i32, i32, i32) {
    %c0_i32 = arith.constant 0 : i32
    %c0_i32_0 = arith.constant 0 : i32
    return %arg0, %c0_i32, %arg1 : i32, i32, i32
  }
  func.func @transform_1(%arg0: i32, %arg1: i32) -> (i32, i32, i32) {
    %c0_i32 = arith.constant 0 : i32
    %c0_i32_0 = arith.constant 0 : i32
    return %arg0, %c0_i32, %arg1 : i32, i32, i32
  }
  func.func @transform_2(%arg0: i32, %arg1: i32) -> (i32, i32, i32) {
    %c0_i32 = arith.constant 0 : i32
    %c0_i32_0 = arith.constant 0 : i32
    return %arg0, %c0_i32, %arg1 : i32, i32, i32
  }
}

</mosaic_0001>

<sc_bundles>
// kernel: kernel.4.cloned.1.call-start
scs
__scs_entry_jumppad:
0x0: {  	(pc) =	sbr.rel $0x88, $3  }
0x1: {  	(tag) =	ssettag $0x0;
	lr =	simm.s32 $0x1  }
0x2: {  	[smem:$0x3F9C] =	sst lr;
	_ =	strace $0xD0000000  }
0x3: {  	_ = 	snop  }
0x4: {  	_ = 	snop  }
0x5: {  	_ = 	snop  }
0x6: {  	_ = 	snop  }
0x7: {  	_ = 	snop  }
__scs_overlays_trampoline_lowered:
0x8: {  	[smem:$0x3FAB] =	sst s0  }
0x9: {  	[smem:$0x3FAC] =	sst s1  }
0xa: {  	[smem:$0x3FAD] =	sst s2  }
0xb: {  	[smem:$0x3FAE] =	sst s3  }
0xc: {  	[smem:$0x3FAF] =	sst s4  }
0xd: {  	[smem:$0x3FB0] =	sst s5  }
0xe: {  	[smem:$0x3FB1] =	sst s6  }
0xf: {  	[smem:$0x3FB2] =	sst s7  }
0x10: {  	[smem:$0x3FB3] =	sst s8  }
0x11: {  	[smem:$0x3FB4] =	sst s9;
	s0 =	simm.s32 @!p0 $0x0  }
0x12: {  	s1 =	sld [smem:$0x3F9A];
	s0 =	simm.s32 @p0 $0x1  }
0x13: {  	[smem:$0x3FB5] =	sst s0;
	s0 =	simm.s32 @!p1 $0x0  }
0x14: {  	s2 =	sld [smem:$0x3F99];
	s0 =	simm.s32 @p1 $0x1  }
0x15: {  	[smem:$0x3FB6] =	sst s0;
	s0 =	simm.s32 @!p2 $0x0  }
0x16: {  	s3 =	sld [smem:$0x3FDB];
	s0 =	simm.s32 @p2 $0x1  }
0x17: {  	s4 =	simm.s32 $0x1BF5;
	[smem:$0x3FB8] =	sst s0  }
0x18: {  	s0 =	sld [smem:$0x3F9B];
	_ =	swait.ge [sflag:s4], $0x0  }
0x19: {  	s7 =	sld [smem:$0x3F9C]  }
0x1a: {  	s8 =	sadd.s32 $0xFFFFE003, lr  }
0x1b: {  	s9 =	sadd.s32 $0xFFFFFEF7, lr;
	s5 =	simm.s32 $0xFFFFFFFF;
	p2 =	slt.u32 s8, $0xFFFFF086  }
0x1c: {  	p1 =	slt.u32 s9, $0xF7A;
	s5 =	simm.s32 @!p2 $0x0  }
0x1d: {  	s5 =	simm.s32 @p1 $0x1;
	p0 =	seq.s32 s7, s2  }
0x1e: {  	s7 =	smul.u32 @!p0 $0xF7A, s2;
	p2 =	seq.s32 @!p0 s5, $0x0  }
0x1f: {  	s9 =	smul.u32 $0xF7A, s1;
	s8 =	simm.s32 @!p0 $0x1BF5;
	p2 =	por !p2, p0  }
0x20: {  	[sflag:s8] =	ssyncset.s32 @!p0 $0xFFFFF086;
	s6 =	sadd.s32 @!p0 s3, s7;
	s7 =	simm.s32 @!p0 $0x108  }
0x21: {  	s3 =	sadd.s32 s3, s9;
	s6 =	sadd.s32 @!p0 $0x88, s6;
	s7 =	simm.s32 @p2 $0x1082  }
0x22: {  	[simem:s7], [sflag:s8] =	dma.local @!p0 [hbm:s6], $0xF7A  }
0x23: {  	s9 =	sor.u32 $0xD0000000, s2;
	s6 =	simm.s32 $0x108;
	_ =	swait.ge @!p0 [sflag:s8], $0x0  }
0x24: {  	s3 =	sadd.s32 $0x88, s3;
	s6 =	simm.s32 @!p1 $0x1082;
	[sflag:s4] =	ssyncset.s32 $0xFFFFF086  }
0x25: {  	[simem:s6], [sflag:s4] =	dma.local [hbm:s3], $0xF7A  }
0x26: {  	[smem:$0x3F9C] =	sst s1;
	(tag) =	ssettag s2;
	_ =	strace s9  }
0x27: {  	s1 =	sld [smem:$0x3FAC]  }
0x28: {  	s2 =	sld [smem:$0x3FAD]  }
0x29: {  	s4 =	sld [smem:$0x3FAF]  }
0x2a: {  	p0 =	seq.s32 s5, $0x0;
	s5 =	sld [smem:$0x3FB0]  }
0x2b: {  	s6 =	sld [smem:$0x3FB1]  }
0x2c: {  	s7 =	sld [smem:$0x3FB2]  }
0x2d: {  	s3 =	simm.s32 $0x108;
	s8 =	sld [smem:$0x3FB3]  }
0x2e: {  	s3 =	simm.s32 @!p0 $0x1082;
	s9 =	sld [smem:$0x3FB4]  }
0x2f: {  	lr =	sadd.s32 s0, s3;
	s0 =	sld [smem:$0x3FAB]  }
0x30: {  	s3 =	sld [smem:$0x3FAE]  }
0x31: {  	[smem:$0x3FB7] =	sst s10  }
0x32: {  	s10 =	sld [smem:$0x3FB5];
	_ =	sdelay $0x3  }
0x33: {  	p0 =	seq.s32 s10, $0x1;
	s10 =	sld [smem:$0x3FB7];
	_ =	sdelay $0x3  }
0x34: {  	[smem:$0x3FB7] =	sst s10  }
0x35: {  	s10 =	sld [smem:$0x3FB6];
	_ =	sdelay $0x3  }
0x36: {  	p1 =	seq.s32 s10, $0x1;
	s10 =	sld [smem:$0x3FB7];
	_ =	sdelay $0x3  }
0x37: {  	[smem:$0x3FB7] =	sst s10  }
0x38: {  	s10 =	sld [smem:$0x3FB8]  }
0x39: {  	_ = 	snop;
	(pc) =	sbr.ind lr, $3  }
0x3a: {  	_ = 	snop  }
0x3b: {  	_ = 	snop  }
0x3c: {  	p2 =	seq.s32 s10, $0x1;
	s10 =	sld [smem:$0x3FB7]  }
0x3d: {  	_ =	shalt  }
0x3e: {  	_ =	shalt  }
0x3f: {  	_ =	shalt  }
0x40: {  	_ =	shalt  }
0x41: {  	_ =	shalt  }
0x42: {  	_ =	shalt  }
0x43: {  	_ =	shalt  }
0x44: {  	_ =	shalt  }
0x45: {  	_ =	shalt  }
0x46: {  	_ =	shalt  }
0x47: {  	_ =	shalt  }
0x48: {  	_ =	shalt  }
0x49: {  	_ =	shalt  }
0x4a: {  	_ =	shalt  }
0x4b: {  	_ =	shalt  }
0x4c: {  	_ =	shalt  }
0x4d: {  	_ =	shalt  }
0x4e: {  	_ =	shalt  }
0x4f: {  	_ =	shalt  }
0x50: {  	_ =	shalt  }
0x51: {  	_ =	shalt  }
0x52: {  	_ =	shalt  }
0x53: {  	_ =	shalt  }
0x54: {  	_ =	shalt  }
0x55: {  	_ =	shalt  }
0x56: {  	_ =	shalt  }
0x57: {  	_ =	shalt  }
0x58: {  	_ =	shalt  }
0x59: {  	_ =	shalt  }
0x5a: {  	_ =	shalt  }
0x5b: {  	_ =	shalt  }
0x5c: {  	_ =	shalt  }
0x5d: {  	_ =	shalt  }
0x5e: {  	_ =	shalt  }
0x5f: {  	_ =	shalt  }
0x60: {  	_ =	shalt  }
0x61: {  	_ =	shalt  }
0x62: {  	_ =	shalt  }
0x63: {  	_ =	shalt  }
0x64: {  	_ =	shalt  }
0x65: {  	_ =	shalt  }
0x66: {  	_ =	shalt  }
0x67: {  	_ =	shalt  }
0x68: {  	_ =	shalt  }
0x69: {  	_ =	shalt  }
0x6a: {  	_ =	shalt  }
0x6b: {  	_ =	shalt  }
0x6c: {  	_ =	shalt  }
0x6d: {  	_ =	shalt  }
0x6e: {  	_ =	shalt  }
0x6f: {  	_ =	shalt  }
0x70: {  	_ =	shalt  }
0x71: {  	_ =	shalt  }
0x72: {  	_ =	shalt  }
0x73: {  	_ =	shalt  }
0x74: {  	_ =	shalt  }
0x75: {  	_ =	shalt  }
0x76: {  	_ =	shalt  }
0x77: {  	_ =	shalt  }
0x78: {  	_ =	shalt  }
0x79: {  	_ =	shalt  }
0x7a: {  	_ =	shalt  }
0x7b: {  	_ =	shalt  }
0x7c: {  	_ =	shalt  }
0x7d: {  	_ =	shalt  }
0x7e: {  	_ =	shalt  }
0x7f: {  	_ =	shalt  }
0x80: {  	_ =	shalt  }
0x81: {  	_ =	shalt  }
0x82: {  	_ =	shalt  }
0x83: {  	_ =	shalt  }
0x84: {  	_ =	shalt  }
0x85: {  	_ =	shalt  }
0x86: {  	_ =	shalt  }
0x87: {  	_ =	shalt  }
.Lfunc_end0:
.L_simem_size_0:
called_computation_lowered:
.L_overlay_start_0:
0x88: {  	s0 =	sld [smem:$0x3FD9]  }
0x89: {  	s1 =	sld [smem:$0x3FFE];
	_ =	sdelay $0x3  }
0x8a: {  	s0 =	sadd.s32 s1, s0  }
0x8b: {  	[smem:$0x3FC3] =	sst s0  }
0x8c: {  	_ = 	snop  }
0x8d: {  	s0 =	sld [smem:$0x3FD0];
	_ =	sdelay $0x2  }
0x8e: {  	s2 =	simm.s32 $0xA;
	s3 =	simm.s32 $0x10;
	s13 =	sld [smem:$0x3FC5]  }
0x8f: {  	[smem:s3], [sflag:s2] =	dma.local [hbm:s0], $0x1  }
0x90: {  	_ =	swait.eq [sflag:s2], $0x1  }
0x91: {  	[sflag:s2] =	ssyncset.done $0x0  }
0x92: {  	[sflag:s2] =	ssyncadd.s32 $0xFFFFFFFF  }
0x93: {  	s14 =	sld [smem:$0x10];
	(tm) =	ssettm $0x1  }
0x94: {  	s15 =	sld [smem:$0x3FFB];
	_ =	sdelay $0x3  }
0x95: {  	_ =	strace s15  }
0x96: {  	s2 =	sld [smem:$0x3FFC];
	_ =	sdelay $0x3  }
0x97: {  	_ =	strace s2  }
0x98: {  	s2 =	sld [smem:$0x3FFD];
	_ =	sdelay $0x3  }
0x99: {  	_ =	strace s2  }
0x9a: {  	_ =	strace $0x8FFFFFFF  }
0x9b: {  	s16 =	sld [smem:$0x3FDB];
	_ =	sdelay $0x1  }
0x9c: {  	s17 =	simm.s32 $_scs_section_size  }
0x9d: {  	s4 =	simm.s32 $_size__tile_overlayer_lowered;
	s5 =	simm.s32 $_tile_overlayer_lowered  }
0x9e: {  	s20 =	simm.s32 $0x1BFF;
	s19 =	sshll.u32 s5, $0x1;
	s2 =	sadd.s32 s17, s16  }
0x9f: {  	s6 =	simm.s32 $0x0;
	s18 =	sshll.u32 s4, $0x1;
	s4 =	sadd.s32 s19, s2  }
0xa0: {  	[timem:s6], [sflag:s20] =	dma.local [hbm:s4], s18  }
0xa1: {  	_ =	swait.ge [sflag:s20], s18  }
0xa2: {  	s3 =	ssub.s32 $0x0, s18;
	[sflag:s20] =	ssyncset.done $0x0  }
0xa3: {  	[sflag:s20] =	ssyncadd.s32 s3;
	_ =	sdelay $0x1  }
0xa4: {  	s21 =	simm.s32 $0x1B8B  }
0xa5: {  	_ =	swait.ge [sflag:s21], $0x1  }
0xa6: {  	[sflag:s21] =	ssyncset.done $0x0  }
0xa7: {  	s23 =	simm.s32 $0x1B8E;
	s22 =	sld [smem:$0x3FFE];
	[sflag:s21] =	ssyncadd.s32 $0xFFFFFFFF  }
0xa8: {  	s24 =	simm.s32 $execute0_lowered;
	[smem:$0x3FD2] =	sst s23  }
0xa9: {  	s4 =	sshll.u32 s24, $0x1;
	_ =	strace $0x80000046;
	[dreg:$0x1] =	wrdreg $0xFFFFFFFF  }
0xaa: {  	s25 =	simm.s32 $_size_execute0_lowered;
	s2 =	sadd.s32 s2, s4;
	[dreg:$0x0] =	wrdreg $0x0  }
0xab: {  	s4 =	sshll.u32 s25, $0x1;
	[dreg:$0x2] =	wrdreg s2  }
0xac: {  	[dreg:$0x3] =	wrdreg s4  }
0xad: {  	[dreg:$0x4] =	wrdreg $0xC0  }
0xae: {  	_ =	task [dreg:s6], $0x5FFFF  }
0xaf: {  	[dreg:$0x1] =	wrdreg $0xFFFFFFFF  }
0xb0: {  	[dreg:$0x0] =	wrdreg $0x60  }
0xb1: {  	[dreg:$0x2] =	wrdreg s13  }
0xb2: {  	[dreg:$0x3] =	wrdreg s22  }
0xb3: {  	[dreg:$0x4] =	wrdreg s14  }
0xb4: {  	[dreg:$0x5] =	wrdreg $0x9  }
0xb5: {  	_ =	task.clear_ibuf [dreg:s6], $0x6FFFF;
	_ =	strace $0x90000046  }
0xb6: {  	s26 =	simm.s32 $0x9;
	_ =	strace $0x80000048  }
0xb7: {  	_ =	swait.ge [sflag:s26], $0x1  }
0xb8: {  	[sflag:s26] =	ssyncadd.s32 $0xFFFFFFFF  }
0xb9: {  	_ =	strace $0x90000048  }
0xba: {  	_ =	sfence  }
0xbb: {  	s28 =	sld [smem:$0x0];
	_ =	sdelay $0x1  }
0xbc: {  	s29 =	srdreg.scid  }
0xbd: {  	s30 =	sshll.u32 s29, $0xD;
	s31 =	sshrl.u32 s29, $0x2  }
0xbe: {  	s1 =	sand.u32 $0x1, s29;
	s2 =	sand.u32 $0x4000, s30;
	s0 =	sadd.s32 s31, s28  }
0xbf: {  	s1 =	sor.u32 s2, s1;
	s0 =	sshll.u32 s0, $0x11  }
0xc0: {  	s0 =	sor.u32 s0, s1  }
0xc1: {  	s0 =	sadd.s32 $0x8F2B, s0  }
0xc2: {  	[sflag:s0] =	ssyncadd.remote.s32 $0x1  }
0xc3: {  	_ =	sfence.sel $0xFFFF  }
0xc4: {  	[dreg:$0x0] =	wrdreg $0xFFFFFFFF;
	(pc) =	sbr.abs _section_cstart, $3  }
0xc5: {  	[dreg:$0x1] =	wrdreg $0xFFFFFFFF  }
0xc6: {  	_ =	task.clear_ibuf [dreg:s6], $0x2FFFF;
	_ =	strace $0x9FFFFFFF  }
0xc7: {  	(tm) =	ssettm $0x7FFFFFFF  }
tec
execute0_lowered:
.L_overlay_start_1:
0x0: {  	(tag) =	ssettag $0x1  }
0x1: {  	s0 =	rddreg [dreg:$0x0]  }
0x2: {  	s1 =	rddreg [dreg:$0x1]  }
0x3: {  	s2 =	rddreg [dreg:$0x2];
	s3 =	stileid.u32  }
0x4: {  	s4 =	rddreg [dreg:$0x3];
	s5 =	simm.s32 $0x0;
	s6 =	sshll.u32 s3, $0x1  }
0x5: {  	[smem:$0x7FF] =	sst s5;
	s1 =	sadd.s32 s6, s1  }
0x6: {  	s21 =	simm.s32 $0x2;
	_ =	strace $0x80000047;
	s1 =	sadd.s32 $0xA00, s1  }
0x7: {  	[tilespmem:s5], [sflag:$0x2] =	stream.linear.gather [hbm4b:s1+s5], $0x10, $0x38;
	[tilespmem:$0x4080] =	vst v63  }
0x8: {  	_ =	swait.ge [sflag:s21], $0x10  }
0x9: {  	[sflag:s21] =	ssyncset.done $0x0  }
0xa: {  	[sflag:s21] =	ssyncadd.s32 $0xFFFFFFF0  }
0xb: {  	v0 =	vld [tilespmem:$0x0];
	_ =	sdelay $0x4  }
0xc: {  	v1 =	vshll.u32 v0, $0x3  }
0xd: {  	v2 =	vlaneseq.u32;
	v0 =	vand.u32 $0x7, v0;
	v1 =	vand.u32 $0xFFFFFFC0, v1  }
0xe: {  	v63 =	vand.u32 $0x7, v2;
	v3 =	vshrl.u32 v2, $0x3;
	v0 =	vor.u32 v0, v1  }
0xf: {  	v3 =	vmul.u32 $0x8, v3;
	v1 =	vperm.xlane v0, v63;
	_ =	sdelay $0x1  }
0x10: {  	v1 =	vadd.s32 v3, v1;
	_ =	sdelay $0x3  }
0x11: {  	vm0 =	vmmov $0xffff;
	s22 =	simm.s32 $0x80  }
0x12: {  	v2 =	vor.u32 $0x8, v2;
	[tilespmem:s22], [sflag:$0x1] =	stream.indirect_vreg.gather [hbm4b:s0+s5], $0x80, v1, vm0, $0xb8;
	[tilespmem:$0x4080] =	vst v63  }
0x13: {  	s8 =	simm.s32 $0x880;
	s7 =	sadd.s32 $0x100, s0;
	v0 =	vperm.xlane v0, v2  }
0x14: {  	[tilespmem:s8], [sflag:$0x1] =	stream.indirect_vreg.gather [hbm4b:s7+s5], $0x80, v1, vm0, $0xb8;
	[tilespmem:$0x4080] =	vst v63  }
0x15: {  	s9 =	simm.s32 $0x1080;
	s23 =	sadd.s32 $0x200, s0;
	v0 =	vadd.s32 v3, v0  }
0x16: {  	[tilespmem:s9], [sflag:$0x1] =	stream.indirect_vreg.gather [hbm4b:s23+s5], $0x80, v1, vm0, $0xb8;
	[tilespmem:$0x4080] =	vst v63  }
0x17: {  	s10 =	simm.s32 $0x1880;
	s24 =	sadd.s32 $0x300, s0  }
0x18: {  	[tilespmem:s10], [sflag:$0x1] =	stream.indirect_vreg.gather [hbm4b:s24+s5], $0x80, v1, vm0, $0xb8;
	[tilespmem:$0x4080] =	vst v63  }
0x19: {  	s25 =	simm.s32 $0x2080  }
0x1a: {  	[tilespmem:s25], [sflag:$0x1] =	stream.indirect_vreg.gather [hbm4b:s0+s5], $0x80, v0, vm0, $0xb8;
	[tilespmem:$0x4080] =	vst v63  }
0x1b: {  	s26 =	simm.s32 $0x2880  }
0x1c: {  	[tilespmem:s26], [sflag:$0x1] =	stream.indirect_vreg.gather [hbm4b:s7+s5], $0x80, v0, vm0, $0xb8;
	[tilespmem:$0x4080] =	vst v63  }
0x1d: {  	s28 =	simm.s32 $0x3080  }
0x1e: {  	[tilespmem:s28], [sflag:$0x1] =	stream.indirect_vreg.gather [hbm4b:s23+s5], $0x80, v0, vm0, $0xb8;
	[tilespmem:$0x4080] =	vst v63  }
0x1f: {  	s29 =	simm.s32 $0x3880;
	s30 =	simm.s32 $0x1  }
0x20: {  	[tilespmem:s29], [sflag:$0x1] =	stream.indirect_vreg.gather [hbm4b:s24+s5], $0x80, v0, vm0, $0xb8;
	[tilespmem:$0x4080] =	vst v63  }
0x21: {  	_ =	swait.ge [sflag:s30], $0x4000  }
0x22: {  	s31 =	sshll.u32 s3, $0xB;
	[sflag:s30] =	ssyncset.done $0x0  }
0x23: {  	s2 =	sadd.s32 s2, s31;
	[sflag:s30] =	ssyncadd.s32 $0xFFFFC000  }
0x24: {  	[hbm4b:s2+s5] =	stream.linear.scatter [tilespmem:s22], [sflag:$0x2], $0x4000, $0x38;
	[tilespmem:$0x4080] =	vst v63  }
0x25: {  	_ =	swait.ge [sflag:s21], $0x4000  }
0x26: {  	[sflag:s21] =	ssyncset.done $0x0  }
0x27: {  	[sflag:s21] =	ssyncadd.s32 $0xFFFFC000  }
0x28: {  	_ =	sfence.sel $0x180000  }
0x29: {  	[bflag:$0x0] =	sbarrier.arrive $0xFFFF  }
0x2a: {  	p0 =	sne.s32 s3, $0x0;
	_ =	strace $0x90000047  }
0x2b: {  	s0 =	sadd.s32 @!p0 $0x100000, s4;
	[bflag:$0x2] =	sbarrier.arrive $0xFFFF  }
0x2c: {  	[sflag:s0] =	ssyncadd.tile.s32 @!p0 $0x1;
	_ =	shalt  }
.Lfunc_end2:
_tile_overlayer_lowered:
.L_overlay_start_2:
0x2d: {  	(tag) =	ssettag $0x2  }
0x2e: {  	s0 =	rddreg [dreg:$0x0];
	s2 =	stileid.u32  }
0x2f: {  	s1 =	rddreg [dreg:$0x1];
	p0 =	sne.s32 s2, $0x0  }
0x30: {  	s3 =	rddreg [dreg:$0x2];
	[bflag:$0x3] =	sbarrier.arrive $0xFFFF;
	s2 =	simm.s32 @!p0 $0x1C02  }
0x31: {  	[timem:s3], [sflag:s2] =	dma.local @!p0 [hbm:s0], s1  }
0x32: {  	s0 =	simm.s32 @!p0 $0x2  }
0x33: {  	_ =	swait.ge @!p0 [sflag:s0], s1  }
0x34: {  	s1 =	ssub.s32 @!p0 $0x0, s1;
	[sflag:s0] =	ssyncset.done @!p0 $0x0  }
0x35: {  	[sflag:s0] =	ssyncadd.s32 @!p0 s1  }
0x36: {  	[bflag:$0x3] =	sbarrier.arrive $0xFFFF  }
0x37: {  	_ =	shalt  }

</sc_bundles>
